<compile_context>
chip_gen: v7x
topology: tpu7x:2x2x1
jax: 0.10.2.dev20260603
libtpu: 0.0.44.dev20260713+nightly
codegen_flags: <defaults>
</compile_context>

<pallas_src>
import jax
import jax.numpy as jnp
from jax.experimental import pallas as pl
from jax.experimental.pallas import tpu as pltpu

_LB = 12288


def _blend_kernel(corners_ref, xg_ref, yg_ref, out_ref):
    xg = xg_ref[0]
    yg = yg_ref[0]
    omx = 1.0 - xg
    omy = 1.0 - yg
    w = jnp.concatenate([omx * omy, xg * omy, omx * yg, xg * yg], axis=0)
    out_ref[0] = jnp.dot(
        corners_ref[0], w, preferred_element_type=jnp.float32
    )


def kernel(x, grid):
    n, ch, h, w = x.shape
    gh, gw = grid.shape[1], grid.shape[2]
    l = gh * gw
    corners = x[:, :, 0:2, 0:2].reshape(n, ch, 4)
    xg = grid[:, :, :, 0].reshape(n, 1, l)
    yg = grid[:, :, :, 1].reshape(n, 1, l)
    lb = _LB
    out = pl.pallas_call(
        _blend_kernel,
        out_shape=jax.ShapeDtypeStruct((n, ch, l), jnp.float32),
        grid=(n, l // lb),
        in_specs=[
            pl.BlockSpec((1, ch, 4), lambda i, j: (i, 0, 0)),
            pl.BlockSpec((1, 1, lb), lambda i, j: (i, 0, j)),
            pl.BlockSpec((1, 1, lb), lambda i, j: (i, 0, j)),
        ],
        out_specs=pl.BlockSpec((1, ch, lb), lambda i, j: (i, 0, j)),
        compiler_params=pltpu.CompilerParams(
            dimension_semantics=("parallel", "parallel"),
        ),
    )(corners, xg, yg)
    return out.reshape(n, ch, gh, gw)

# --- scband reference (transcript-rebuilt; emitter-appended) ---
"""Pipeline reference for scband-model11-85598698209833 (READ-ONLY COPY).

The authoritative reference and input builder live on the scoring server;
editing this copy changes nothing except your own understanding.
"""

import jax, jax.numpy as jnp
import numpy as np


def _bilinear_sample(x, grid):
    Nt, C, H, W = x.shape
    gH, gW = grid.shape[1], grid.shape[2]
    xgrid = grid[..., 0:1]
    ygrid = grid[..., 1:2]
    mask = ((xgrid >= 0) & (ygrid >= 0) & (xgrid < W - 1) & (ygrid < H - 1)).astype(jnp.float32)
    x0 = jnp.floor(xgrid)
    x1 = x0 + 1.0
    y0 = jnp.floor(ygrid)
    y1 = y0 + 1.0
    wa = jnp.transpose((x1 - xgrid) * (y1 - ygrid), (3, 0, 1, 2))
    wb = jnp.transpose((x1 - xgrid) * (ygrid - y0), (3, 0, 1, 2))
    wc = jnp.transpose((xgrid - x0) * (y1 - ygrid), (3, 0, 1, 2))
    wd = jnp.transpose((xgrid - x0) * (ygrid - y0), (3, 0, 1, 2))
    x0i = (x0 * mask).reshape(Nt, gH, gW).astype(jnp.int32)
    y0i = (y0 * mask).reshape(Nt, gH, gW).astype(jnp.int32)
    x1i = (x1 * mask).reshape(Nt, gH, gW).astype(jnp.int32)
    y1i = (y1 * mask).reshape(Nt, gH, gW).astype(jnp.int32)
    ind = jnp.broadcast_to(jnp.arange(Nt).reshape(Nt, 1, 1), (Nt, gH, gW))
    xp = jnp.transpose(x, (1, 0, 2, 3))
    out = (xp[:, ind, y0i, x0i] * wa
           + xp[:, ind, y1i, x0i] * wb
           + xp[:, ind, y0i, x1i] * wc
           + xp[:, ind, y1i, x1i] * wd)
    out = jnp.transpose(out, (1, 0, 2, 3))
    mask_t = jnp.transpose(mask, (0, 3, 1, 2))
    return out * mask_t


def setup_inputs(seed: int = 0):
    key = jax.random.key(seed)
    k1, k2 = jax.random.split(key)
    x = jax.random.normal(k1, (2, 96, 384, 384), dtype=jnp.float32)
    grid = jax.random.uniform(k2, (2, 384, 384, 2), dtype=jnp.float32)
    return {"x": x, "grid": grid}


def reference(x, grid):
    return _bilinear_sample(x, grid)

if __name__ == "__main__":
    import jax
    _d = setup_inputs()
    print(jax.jit(kernel)(*tuple(_d.values())))

</pallas_src>

<mosaic_0001>
module attributes {stable_mosaic.version = 14 : i64} {
  func.func @_blend_kernel(%arg0: i32, %arg1: i32, %arg2: memref<1x96x4xf32, #tpu.memory_space<vmem>>, %arg3: memref<1x1x12288xf32, #tpu.memory_space<vmem>>, %arg4: memref<1x1x12288xf32, #tpu.memory_space<vmem>>, %arg5: memref<1x96x12288xf32, #tpu.memory_space<vmem>>) attributes {dimension_semantics = [#tpu.dimension_semantics<parallel>, #tpu.dimension_semantics<parallel>], iteration_bounds = array<i64: 2, 12>, scalar_prefetch = 0 : i64, scratch_operands = 0 : i64, tpu.core_type = #tpu.core_type<tc>, window_params = [{transform_indices = @transform_0, window_bounds = array<i64: 1, 96, 4>}, {transform_indices = @transform_1, window_bounds = array<i64: 1, 1, 12288>}, {transform_indices = @transform_2, window_bounds = array<i64: 1, 1, 12288>}, {transform_indices = @transform_3, window_bounds = array<i64: 1, 96, 12288>}]} {
    %get3A = arith.constant 0 : index
    %get3A_0 = arith.constant 0 : index
    %get3A_1 = arith.constant 0 : index
    %get3A_2 = vector.load %arg3[%get3A, %get3A_0, %get3A_1] : memref<1x1x12288xf32, #tpu.memory_space<vmem>>, vector<1x1x12288xf32>
    %get3A_3 = vector.shape_cast %get3A_2 : vector<1x1x12288xf32> to vector<1x12288xf32>
    %get3A_4 = arith.constant 0 : index
    %get3A_5 = arith.constant 0 : index
    %get3A_6 = arith.constant 0 : index
    %get3A_7 = vector.load %arg4[%get3A_4, %get3A_5, %get3A_6] : memref<1x1x12288xf32, #tpu.memory_space<vmem>>, vector<1x1x12288xf32>
    %get3A_8 = vector.shape_cast %get3A_7 : vector<1x1x12288xf32> to vector<1x12288xf32>
    %sub3A = arith.constant 1.000000e+00 : f32
    %sub3A_9 = vector.broadcast %sub3A : f32 to vector<1x12288xf32>
    %sub3A_10 = arith.subf %sub3A_9, %get3A_3 : vector<1x12288xf32>
    %sub3A_11 = arith.constant 1.000000e+00 : f32
    %sub3A_12 = vector.broadcast %sub3A_11 : f32 to vector<1x12288xf32>
    %sub3A_13 = arith.subf %sub3A_12, %get3A_8 : vector<1x12288xf32>
    %mul3A = arith.mulf %sub3A_10, %sub3A_13 : vector<1x12288xf32>
    %mul3A_14 = arith.mulf %get3A_3, %sub3A_13 : vector<1x12288xf32>
    %mul3A_15 = arith.mulf %sub3A_10, %get3A_8 : vector<1x12288xf32>
    %mul3A_16 = arith.mulf %get3A_3, %get3A_8 : vector<1x12288xf32>
    %concatenate3A = tpu.concatenate %mul3A, %mul3A_14, %mul3A_15, %mul3A_16 in 0 : vector<1x12288xf32>, vector<1x12288xf32>, vector<1x12288xf32>, vector<1x12288xf32> -> vector<4x12288xf32>
    %get3A_17 = arith.constant 0 : index
    %get3A_18 = arith.constant 0 : index
    %get3A_19 = arith.constant 0 : index
    %get3A_20 = vector.load %arg2[%get3A_17, %get3A_18, %get3A_19] : memref<1x96x4xf32, #tpu.memory_space<vmem>>, vector<1x96x4xf32>
    %get3A_21 = vector.shape_cast %get3A_20 : vector<1x96x4xf32> to vector<96x4xf32>
    %dot_general3A = arith.constant dense<0.000000e+00> : vector<96x12288xf32>
    %dot_general3A_22 = tpu.matmul %get3A_21, %concatenate3A, %dot_general3A {dimension_numbers = #tpu.dot_dimension_numbers<[1], [0], [0], [1], [0, 0, 1, 1], [], []>, transpose_lhs_hint = false} : vector<96x4xf32>, vector<4x12288xf32>, vector<96x12288xf32> -> vector<96x12288xf32>
    %swap3A = arith.constant 0 : index
    %swap3A_23 = arith.constant 0 : index
    %swap3A_24 = arith.constant 0 : index
    %swap3A_25 = vector.load %arg5[%swap3A, %swap3A_23, %swap3A_24] : memref<1x96x12288xf32, #tpu.memory_space<vmem>>, vector<1x96x12288xf32>
    %swap3A_26 = vector.shape_cast %swap3A_25 : vector<1x96x12288xf32> to vector<96x12288xf32>
    %swap3A_27 = vector.shape_cast %dot_general3A_22 : vector<96x12288xf32> to vector<1x96x12288xf32>
    tpu.vector_store %arg5[%swap3A, %swap3A_23, %swap3A_24], %swap3A_27 {strides = array<i32>} : memref<1x96x12288xf32, #tpu.memory_space<vmem>>, vector<1x96x12288xf32>,
    return
  }
  func.func @transform_0(%arg0: i32, %arg1: i32) -> (i32, i32, i32) {
    %c0_i32 = arith.constant 0 : i32
    %c0_i32_0 = arith.constant 0 : i32
    %c0_i32_1 = arith.constant 0 : i32
    return %arg0, %c0_i32, %c0_i32_0 : i32, i32, i32
  }
  func.func @transform_1(%arg0: i32, %arg1: i32) -> (i32, i32, i32) {
    %c0_i32 = arith.constant 0 : i32
    %c0_i32_0 = arith.constant 0 : i32
    return %arg0, %c0_i32, %arg1 : i32, i32, i32
  }
  func.func @transform_2(%arg0: i32, %arg1: i32) -> (i32, i32, i32) {
    %c0_i32 = arith.constant 0 : i32
    %c0_i32_0 = arith.constant 0 : i32
    return %arg0, %c0_i32, %arg1 : i32, i32, i32
  }
  func.func @transform_3(%arg0: i32, %arg1: i32) -> (i32, i32, i32) {
    %c0_i32 = arith.constant 0 : i32
    %c0_i32_0 = arith.constant 0 : i32
    return %arg0, %c0_i32, %arg1 : i32, i32, i32
  }
}

</mosaic_0001>

<sc_bundles>
// kernel: sparse-core-data-format-call.cloned.1.call-start
scs
called_computation_lowered:
.L_overlay_start_0:
0x0: {  	s2 =	sld [smem:$0x3FD9]  }
0x1: {  	s3 =	sld [smem:$0x3FFE];
	_ =	sdelay $0x1  }
0x2: {  	s1 =	srdreg.scid  }
0x3: {  	s0 =	sand.u32 $0x1, s1  }
0x4: {  	s18 =	sshll.u32 s0, $0xA;
	s2 =	sadd.s32 s3, s2  }
0x5: {  	s2 =	sadd.s32 s2, s18  }
0x6: {  	[smem:$0x3FC6] =	sst s2  }
0x7: {  	_ = 	snop  }
0x8: {  	s2 =	sld [smem:$0x3FD0];
	(tm) =	ssettm $0x1  }
0x9: {  	s19 =	sld [smem:$0x3FFB];
	_ =	sdelay $0x3  }
0xa: {  	_ =	strace s19  }
0xb: {  	s3 =	sld [smem:$0x3FFC];
	_ =	sdelay $0x3  }
0xc: {  	_ =	strace s3  }
0xd: {  	s3 =	sld [smem:$0x3FFD];
	_ =	sdelay $0x3  }
0xe: {  	_ =	strace s3  }
0xf: {  	_ =	strace $0x8FFFFFFF  }
0x10: {  	s20 =	sld [smem:$0x3FDB];
	_ =	sdelay $0x1  }
0x11: {  	s4 =	simm.s32 $_scs_section_size  }
0x12: {  	s5 =	simm.s32 $_size__tile_overlayer_lowered;
	s6 =	simm.s32 $_tile_overlayer_lowered  }
0x13: {  	s23 =	simm.s32 $0x1BFF;
	s22 =	sshll.u32 s6, $0x1;
	s3 =	sadd.s32 s4, s20  }
0x14: {  	s7 =	simm.s32 $0x0;
	s21 =	sshll.u32 s5, $0x1;
	s5 =	sadd.s32 s22, s3  }
0x15: {  	[timem:s7], [sflag:s23] =	dma.local [hbm:s5], s21  }
0x16: {  	_ =	swait.ge [sflag:s23], s21  }
0x17: {  	s4 =	ssub.s32 $0x0, s21;
	[sflag:s23] =	ssyncset.done $0x0  }
0x18: {  	[sflag:s23] =	ssyncadd.s32 s4;
	_ =	sdelay $0x1  }
0x19: {  	s24 =	simm.s32 $0x1B8B  }
0x1a: {  	_ =	swait.ge [sflag:s24], $0x1  }
0x1b: {  	[sflag:s24] =	ssyncset.done $0x0  }
0x1c: {  	s26 =	simm.s32 $0x1B8E;
	s25 =	sld [smem:$0x3FFE];
	[sflag:s24] =	ssyncadd.s32 $0xFFFFFFFF  }
0x1d: {  	s27 =	simm.s32 $execute0_lowered;
	[smem:$0x3FD2] =	sst s26  }
0x1e: {  	s5 =	sshll.u32 s27, $0x1;
	_ =	strace $0x80000046;
	[dreg:$0x1] =	wrdreg $0xFFFFFFFF  }
0x1f: {  	s28 =	simm.s32 $_size_execute0_lowered;
	s3 =	sadd.s32 s3, s5;
	[dreg:$0x0] =	wrdreg $0x0  }
0x20: {  	s5 =	sshll.u32 s28, $0x1;
	[dreg:$0x2] =	wrdreg s3  }
0x21: {  	[dreg:$0x3] =	wrdreg s5  }
0x22: {  	[dreg:$0x4] =	wrdreg $0xC0  }
0x23: {  	_ =	task [dreg:s7], $0x5FFFF  }
0x24: {  	[dreg:$0x1] =	wrdreg $0xFFFFFFFF  }
0x25: {  	[dreg:$0x0] =	wrdreg $0x60  }
0x26: {  	[dreg:$0x2] =	wrdreg s25  }
0x27: {  	[dreg:$0x3] =	wrdreg s2  }
0x28: {  	[dreg:$0x4] =	wrdreg $0x9  }
0x29: {  	_ =	task.clear_ibuf [dreg:s7], $0x5FFFF;
	_ =	strace $0x90000046  }
0x2a: {  	s29 =	simm.s32 $0x9;
	_ =	strace $0x80000048  }
0x2b: {  	_ =	swait.ge [sflag:s29], $0x1  }
0x2c: {  	[sflag:s29] =	ssyncadd.s32 $0xFFFFFFFF  }
0x2d: {  	_ =	strace $0x90000048  }
0x2e: {  	_ =	sfence  }
0x2f: {  	s30 =	sld [smem:$0x0];
	_ =	sdelay $0x2  }
0x30: {  	s31 =	sshll.u32 s1, $0xD;
	s1 =	sshrl.u32 s1, $0x2  }
0x31: {  	s3 =	sand.u32 $0x4000, s31;
	s1 =	sadd.s32 s1, s30  }
0x32: {  	s0 =	sor.u32 s3, s0;
	s1 =	sshll.u32 s1, $0x11  }
0x33: {  	s0 =	sor.u32 s1, s0  }
0x34: {  	s0 =	sadd.s32 $0x8F2B, s0  }
0x35: {  	[sflag:s0] =	ssyncadd.remote.s32 $0x1  }
0x36: {  	_ =	sfence.sel $0xFFFF  }
0x37: {  	[dreg:$0x0] =	wrdreg $0xFFFFFFFF;
	(pc) =	sbr.abs _section_cstart, $3  }
0x38: {  	[dreg:$0x1] =	wrdreg $0xFFFFFFFF  }
0x39: {  	_ =	task.clear_ibuf [dreg:s7], $0x2FFFF;
	_ =	strace $0x9FFFFFFF  }
0x3a: {  	(tm) =	ssettm $0x7FFFFFFF  }
0x3b: {  	_ =	shalt  }
tec
execute0_lowered:
.L_overlay_start_1:
0x0: {  	(tag) =	ssettag $0x1  }
0x1: {  	s1 =	rddreg [dreg:$0x0]  }
0x2: {  	s2 =	rddreg [dreg:$0x1]  }
0x3: {  	s0 =	rddreg [dreg:$0x2];
	s4 =	srdreg.scid  }
0x4: {  	_ =	strace $0x80000047;
	s7 =	simm.s32 $0x2;
	s15 =	simm.s32 $0x0  }
0x5: {  	p0 =	por $0x0, $0x0;
	s13 =	simm.s32 $0x0;
	s16 =	simm.s32 $0x0  }
0x6: {  	s14 =	simm.s32 $0x0;
	s9 =	simm.s32 $0x0;
	s11 =	simm.s32 $0x0  }
.Ltmp0:
0x7: {  	s3 =	sadd.s32 $0x600, s1;
	s4 =	sshll.u32 s4, $0x4;
	(pc) =	sbr.rel .LBB1_1-.Ltmp0, $4  }
0x8: {  	s1 =	stileid.u32;
	s5 =	sand.u32 $0x10, s4;
	s4 =	simm.s32 $0x1  }
0x9: {  	s8 =	simm.s32 $0x0;
	s6 =	sor.u32 s1, s5;
	[sflag:s4] =	ssyncpa.u1 $0x0  }
0xa: {  	s5 =	sand.u32 $0x3, s1;
	s6 =	sshrl.u32 s6, $0x2;
	[sflag:s7] =	ssyncpa.u1 $0x0  }
0xb: {  	s7 =	simm.s32 $0xC00;
	s12 =	smov.u32 s5;
	s10 =	smov.u32 s6  }
.LBB1_5:
0xc: {  	s17 =	sadd.s32 $0x80, s9  }
0xd: {  	s13 =	sadd.s32 $0x8, s10;
	s18 =	smov.u32 s10;
	p2 =	sgt.s32 s17, $0x17F  }
0xe: {  	s18 =	smov.u32 @p2 s13  }
0xf: {  	s19 =	smov.u32 s11;
	s13 =	sadd.s32 $0x80, s11;
	p3 =	sgt.s32 s18, $0x7  }
0x10: {  	s19 =	smov.u32 @p3 s13  }
0x11: {  	s20 =	smov.u32 s12;
	s13 =	sadd.s32 $0x4, s12;
	p4 =	sgt.s32 s19, $0x17F  }
0x12: {  	p1 =	slt.u32 s8, $0x2;
	s20 =	smov.u32 @p4 s13  }
0x13: {  	s8 =	sadd.s32 $0x1, s8;
	s17 =	simm.s32 @p2 $0x0;
	p2 =	sgt.s32 s20, $0x17  }
0x14: {  	s15 =	smov.u32 s9;
	s20 =	smov.u32 @p2 s5;
	p2 =	sne.s32 s8, $0x38  }
.Ltmp1:
0x15: {  	s16 =	smov.u32 s11;
	s21 =	simm.s32 @!p1 $0x2;
	(pc) =	sbr.rel @!p2 .LBB1_6-.Ltmp1, $4  }
0x16: {  	s14 =	smov.u32 s12;
	p0 =	por !p0, !p0;
	_ =	swait.ge @!p1 [sflag:s21], $0x4000  }
0x17: {  	[sflag:s21] =	ssyncset.done @!p1 $0x0;
	s9 =	smov.u32 s17;
	s18 =	smov.u32 @p3 s6  }
0x18: {  	[sflag:s21] =	ssyncadd.s32 @!p1 $0xFFFFC000;
	s19 =	simm.s32 @p4 $0x0;
	s13 =	smov.u32 s10  }
0x19: {  	s10 =	smov.u32 s18;
	s11 =	smov.u32 s19;
	s12 =	smov.u32 s20  }
.LBB1_1:
0x1a: {  	p1 =	sgt.u32 s8, $0x35  }
0x1b: {  	s17 =	sshrl.u32 @!p1 s10, $0x3  }
0x1c: {  	s18 =	sshll.u32 @!p1 s9, $0x3;
	s17 =	smul.u32 @!p1 $0xC00, s17  }
0x1d: {  	s19 =	sshll.u32 @!p1 s10, $0x7;
	s18 =	sand.u32 @!p1 $0xFFFFFC00, s18  }
0x1e: {  	s17 =	sadd.s32 @!p1 s17, s18;
	s18 =	sand.u32 @!p1 $0x380, s19  }
0x1f: {  	s19 =	sand.u32 @!p1 $0x7F, s9;
	s17 =	sor.u32 @!p1 s18, s17  }
0x20: {  	s18 =	sor.u32 @!p1 s19, s17  }
0x21: {  	s19 =	smulhi.u32 @!p1 $0xAAAAAAAB, s18  }
0x22: {  	s17 =	smulhi.u32 @!p1 $0xAAAAAAAB, s17  }
0x23: {  	s21 =	smul.u32 @!p1 $0x24000, s12;
	s19 =	sshrl.u32 @!p1 s19, $0x8  }
0x24: {  	s20 =	sxor.u32 @!p1 $0xFFFFFFFF, s8;
	s17 =	sshrl.u32 @!p1 s17, $0x8;
	s19 =	smul.u32 @!p1 $0x180, s19  }
0x25: {  	s22 =	smul.u32 @!p1 $0x180, s11;
	s20 =	sshll.u32 @!p1 s20, $0xE;
	s17 =	sand.u32 @!p1 $0x7, s17  }
0x26: {  	s17 =	smul.u32 @!p1 $0x30, s17;
	s18 =	ssub.s32 @!p1 s18, s19;
	s19 =	sadd.s32 @!p1 s3, s21  }
0x27: {  	s20 =	sand.u32 @!p1 $0x4000, s20;
	s19 =	sadd.s32 @!p1 s22, s19;
	s21 =	sand.u32 @!p1 $0x7, s18  }
0x28: {  	s18 =	sshrl.u32 @!p1 s18, $0x3;
	s17 =	sadd.s32 @!p1 s17, s19;
	s19 =	sshll.u32 @!p1 s21, $0x12  }
0x29: {  	s17 =	sadd.s32 @!p1 s18, s17;
	s18 =	sor.u32 @!p1 $0x80, s19;
	s19 =	simm.s32 @!p1 $0xC00  }
0x2a: {  	[tilespmem:s20], [sflag:$0x1] =	stream.strided.gather @!p1 [hbm4b:s17+s18], $0x4000, s19, s18, $0x38;
	[tilespmem:$0x10000] =	vst v63  }
0x2b: {  	p1 =	seq.s32 s8, $0x0  }
0x2c: {  	p2 =	seq.s32 @!p1 s8, $0x37  }
0x2d: {  	p1 =	por p1, p2  }
.Ltmp2:
0x2e: {  	_ = 	snop;
	(pc) =	sbr.rel @p1 .LBB1_5-.Ltmp2, $1  }
0x2f: {  	_ =	sdelay $0x3  }
0x30: {  	s17 =	simm.s32 $0x1  }
0x31: {  	s17 =	simm.s32 @!p0 $0x0  }
0x32: {  	s17 =	sshll.u32 s17, $0xE  }
0x33: {  	s18 =	sor.u32 $0x70, s17  }
0x34: {  	v1 =	vmov s18;
	_ =	sdelay $0x1  }
0x35: {  	_ =	swait.ge [sflag:s4], $0x4000  }
0x36: {  	[sflag:s4] =	ssyncset.done $0x0  }
0x37: {  	s19 =	simm.s32 $0x0;
	[sflag:s4] =	ssyncadd.s32 $0xFFFFC000  }
0x38: {  	s17 =	sor.u32 $0x8040, s17;
	v6 =	vld.idx.msk [tilespmem:v1+s19+$0x0 ss:$0x1], $0xffff  }
0x39: {  	v0 =	vmov s17;
	v8 =	vld.idx.msk [tilespmem:v1+s19+$0xFFFFFF90 ss:$0x1], $0xffff  }
0x3a: {  	v7 =	vld.idx.msk [tilespmem:v1+s19+$0xFFFFFFA0 ss:$0x1], $0xffff  }
0x3b: {  	v5 =	vld.idx.msk [tilespmem:v1+s19+$0xFFFFFFB0 ss:$0x1], $0xffff  }
0x3c: {  	v4 =	vld.idx.msk [tilespmem:v1+s19+$0xFFFFFFC0 ss:$0x1], $0xffff  }
0x3d: {  	s31 =	sshll.u32 s8, $0xE;
	v2 =	vld.idx.msk [tilespmem:v1+s19+$0xFFFFFFD0 ss:$0x1], $0xffff  }
0x3e: {  	s17 =	sand.u32 $0x4000, s31;
	v3 =	vld.idx.msk [tilespmem:v1+s19+$0xFFFFFFE0 ss:$0x1], $0xffff;
	[tilespmem:v0+s19+$0x30 ss:$0x1] =	vst.idx.msk $0xffff, v6  }
0x3f: {  	s20 =	simm.s32 $0x400;
	s18 =	simm.s32 $0x80;
	s17 =	sor.u32 $0x8000, s17;
	[tilespmem:v0+s19+$0xFFFFFFC0 ss:$0x1] =	vst.idx.msk $0xffff, v8;
	v6 =	vld.idx.msk [tilespmem:v1+s19+$0xFFFFFFF0 ss:$0x1], $0xffff  }
.LBB1_3:
0x40: {  	p1 =	sne.s32 s20, $0xFE00;
	v8 =	vld.idx.msk [tilespmem:v1+s18+$0x0 ss:$0x1], $0xffff;
	[tilespmem:v0+s19+$0xFFFFFFD0 ss:$0x1] =	vst.idx.msk $0xffff, v7  }
0x41: {  	v9 =	vld.idx.msk [tilespmem:v1+s18+$0xFFFFFF90 ss:$0x1], $0xffff;
	[tilespmem:v0+s19+$0xFFFFFFE0 ss:$0x1] =	vst.idx.msk $0xffff, v5  }
0x42: {  	v7 =	vld.idx.msk [tilespmem:v1+s18+$0xFFFFFFA0 ss:$0x1], $0xffff;
	[tilespmem:v0+s19+$0xFFFFFFF0 ss:$0x1] =	vst.idx.msk $0xffff, v4  }
.Ltmp3:
0x43: {  	v5 =	vld.idx.msk [tilespmem:v1+s18+$0xFFFFFFB0 ss:$0x1], $0xffff;
	[tilespmem:v0+s19+$0x0 ss:$0x1] =	vst.idx.msk $0xffff, v2;
	(pc) =	sbr.rel @p1 .LBB1_3-.Ltmp3, $4  }
0x44: {  	v4 =	vld.idx.msk [tilespmem:v1+s18+$0xFFFFFFC0 ss:$0x1], $0xffff;
	[tilespmem:v0+s19+$0x10 ss:$0x1] =	vst.idx.msk $0xffff, v3  }
0x45: {  	v2 =	vld.idx.msk [tilespmem:v1+s18+$0xFFFFFFD0 ss:$0x1], $0xffff;
	[tilespmem:v0+s19+$0x20 ss:$0x1] =	vst.idx.msk $0xffff, v6;
	s19 =	smov.u32 s18  }
0x46: {  	v3 =	vld.idx.msk [tilespmem:v1+s19+$0xFFFFFFE0 ss:$0x1], $0xffff;
	[tilespmem:v0+s19+$0x30 ss:$0x1] =	vst.idx.msk $0xffff, v8  }
0x47: {  	s18 =	sshra.s32 s20, $0x2;
	s20 =	sadd.s32 $0x200, s20;
	[tilespmem:v0+s19+$0xFFFFFFC0 ss:$0x1] =	vst.idx.msk $0xffff, v9;
	v6 =	vld.idx.msk [tilespmem:v1+s19+$0xFFFFFFF0 ss:$0x1], $0xffff  }
0x48: {  	s20 =	sshrl.u32 s16, $0x3  }
0x49: {  	s21 =	sshll.u32 s15, $0x3;
	s20 =	smul.u32 $0xC00, s20  }
0x4a: {  	s26 =	sshll.u32 s16, $0x7;
	s21 =	sand.u32 $0xFFFFFC00, s21  }
0x4b: {  	s16 =	sand.u32 $0x380, s26;
	s20 =	sadd.s32 s20, s21  }
0x4c: {  	[tilespmem:v0+s19+$0xFFFFFFD0 ss:$0x1] =	vst.idx.msk $0xffff, v7;
	s27 =	sand.u32 $0x7F, s15;
	s16 =	sor.u32 s16, s20  }
0x4d: {  	v56 =	vld.idx.msk [tilespmem:v1+s18+$0x0 ss:$0x1], $0xffff;
	[tilespmem:v0+s19+$0xFFFFFFE0 ss:$0x1] =	vst.idx.msk $0xffff, v5;
	s15 =	sor.u32 s27, s16;
	s16 =	smulhi.u32 $0xAAAAAAAB, s16  }
0x4e: {  	v57 =	vld.idx.msk [tilespmem:v1+s18+$0xFFFFFF90 ss:$0x1], $0xffff;
	[tilespmem:v0+s19+$0xFFFFFFF0 ss:$0x1] =	vst.idx.msk $0xffff, v4  }
0x4f: {  	v58 =	vld.idx.msk [tilespmem:v1+s18+$0xFFFFFFA0 ss:$0x1], $0xffff;
	s14 =	smul.u32 $0x24000, s14;
	[tilespmem:v0+s19+$0x0 ss:$0x1] =	vst.idx.msk $0xffff, v2;
	s16 =	sshrl.u32 s16, $0x8  }
0x50: {  	v59 =	vld.idx.msk [tilespmem:v1+s18+$0xFFFFFFB0 ss:$0x1], $0xffff;
	[tilespmem:v0+s19+$0x10 ss:$0x1] =	vst.idx.msk $0xffff, v3;
	s30 =	smulhi.u32 $0xAAAAAB, s16  }
0x51: {  	v60 =	vld.idx.msk [tilespmem:v1+s18+$0xFFFFFFC0 ss:$0x1], $0xffff;
	[tilespmem:v0+s19+$0x20 ss:$0x1] =	vst.idx.msk $0xffff, v6;
	s28 =	smulhi.u32 $0xAAAAAAAB, s15  }
0x52: {  	v61 =	vld.idx.msk [tilespmem:v1+s18+$0xFFFFFFD0 ss:$0x1], $0xffff;
	[tilespmem:v0+s18+$0x30 ss:$0x1] =	vst.idx.msk $0xffff, v56;
	s20 =	smul.u32 $0x180, s30  }
0x53: {  	v62 =	vld.idx.msk [tilespmem:v1+s18+$0xFFFFFFE0 ss:$0x1], $0xffff;
	s13 =	smul.u32 $0x4800, s13;
	[tilespmem:v0+s18+$0xFFFFFFC0 ss:$0x1] =	vst.idx.msk $0xffff, v57;
	s29 =	sshrl.u32 s28, $0x8  }
0x54: {  	v63 =	vld.idx.msk [tilespmem:v1+s18+$0xFFFFFFF0 ss:$0x1], $0xffff;
	[tilespmem:v0+s18+$0xFFFFFFD0 ss:$0x1] =	vst.idx.msk $0xffff, v58;
	s19 =	smul.u32 $0x180, s29;
	s16 =	ssub.s32 s16, s20  }
0x55: {  	[tilespmem:v0+s18+$0xFFFFFFE0 ss:$0x1] =	vst.idx.msk $0xffff, v59;
	s16 =	smul.u32 $0x30, s16  }
.Ltmp4:
0x56: {  	s14 =	sadd.s32 s2, s14;
	[tilespmem:v0+s18+$0xFFFFFFF0 ss:$0x1] =	vst.idx.msk $0xffff, v60;
	s15 =	ssub.s32 s15, s19;
	(pc) =	sbr.rel .LBB1_5-.Ltmp4, $4  }
0x57: {  	s13 =	sadd.s32 s13, s14;
	[tilespmem:v0+s18+$0x0 ss:$0x1] =	vst.idx.msk $0xffff, v61;
	s31 =	sand.u32 $0x7, s15  }
0x58: {  	[tilespmem:v0+s18+$0x10 ss:$0x1] =	vst.idx.msk $0xffff, v62;
	s15 =	sshrl.u32 s15, $0x3;
	s14 =	sshll.u32 s31, $0x12;
	s13 =	sadd.s32 s16, s13  }
0x59: {  	[tilespmem:v0+s18+$0x20 ss:$0x1] =	vst.idx.msk $0xffff, v63;
	s14 =	sor.u32 $0x400, s14;
	s13 =	sadd.s32 s15, s13  }
0x5a: {  	[hbm4b:s13+s14] =	stream.strided.scatter [tilespmem:s17], [sflag:$0x2], $0x4000, s7, s14, $0x38;
	[tilespmem:$0x10000] =	vst v63  }
.LBB1_6:
0x5b: {  	_ =	sfence.sel $0x180000  }
0x5c: {  	s2 =	simm.s32 $0x1;
	[bflag:$0x0] =	sbarrier.arrive $0xFFFF  }
0x5d: {  	s31 =	simm.s32 $0x2;
	[sflag:s2] =	ssyncpa.u1 $0x1  }
0x5e: {  	[sflag:s31] =	ssyncpa.u1 $0x1  }
0x5f: {  	p0 =	sne.s32 s1, $0x0;
	_ =	strace $0x90000047  }
0x60: {  	s0 =	sadd.s32 @!p0 $0x100000, s0;
	[bflag:$0x2] =	sbarrier.arrive $0xFFFF  }
0x61: {  	[sflag:s0] =	ssyncadd.tile.s32 @!p0 $0x1;
	_ =	shalt  }
.Lfunc_end1:
_tile_overlayer_lowered:
.L_overlay_start_2:
0x62: {  	(tag) =	ssettag $0x2  }
0x63: {  	s0 =	rddreg [dreg:$0x0];
	s2 =	stileid.u32  }
0x64: {  	s1 =	rddreg [dreg:$0x1];
	p0 =	sne.s32 s2, $0x0  }
0x65: {  	s3 =	rddreg [dreg:$0x2];
	[bflag:$0x3] =	sbarrier.arrive $0xFFFF;
	s2 =	simm.s32 @!p0 $0x1C01  }
0x66: {  	[timem:s3], [sflag:s2] =	dma.local @!p0 [hbm:s0], s1  }
0x67: {  	s0 =	simm.s32 @!p0 $0x1  }
0x68: {  	_ =	swait.ge @!p0 [sflag:s0], s1  }
0x69: {  	s1 =	ssub.s32 @!p0 $0x0, s1;
	[sflag:s0] =	ssyncset.done @!p0 $0x0  }
0x6a: {  	[sflag:s0] =	ssyncadd.s32 @!p0 s1  }
0x6b: {  	[bflag:$0x3] =	sbarrier.arrive $0xFFFF  }
0x6c: {  	_ =	shalt  }

</sc_bundles>
